<compile_context>
chip_gen: v7x
topology: tpu7x:2x2x1
jax: 0.10.2.dev20260603
libtpu: 0.0.44.dev20260713+nightly
codegen_flags: <defaults>
</compile_context>

<pallas_src>
import jax
import jax.numpy as jnp
from jax.experimental import pallas as pl

_P = 1024
_KN = 64
_R1, _R2 = 0.2, 0.4
_EPS = 1e-5
_BLK = 4096


def _matmul_sum_kernel(x_ref, w_ref, m_ref, z_ref, acc_ref):
    z = jnp.dot(x_ref[...], w_ref[...], preferred_element_type=jnp.float32)
    z_ref[...] = z

    @pl.when(pl.program_id(0) == 0)
    def _():
        acc_ref[...] = jnp.zeros_like(acc_ref)

    acc_ref[...] += jnp.sum(z * m_ref[...], axis=0, keepdims=True)


def _var_kernel(z_ref, m_ref, mu_ref, acc_ref):
    d = z_ref[...] - mu_ref[...]

    @pl.when(pl.program_id(0) == 0)
    def _():
        acc_ref[...] = jnp.zeros_like(acc_ref)

    acc_ref[...] += jnp.sum(d * d * m_ref[...], axis=0, keepdims=True)


def _norm_relu_kernel(z_ref, mu_ref, sd_ref, h_ref):
    h_ref[...] = jnp.maximum((z_ref[...] - mu_ref[...]) / sd_ref[...], 0.0)


def _linear_bias_kernel(x_ref, w_ref, b_ref, o_ref):
    o_ref[...] = jnp.dot(x_ref[...], w_ref[...],
                         preferred_element_type=jnp.float32) + b_ref[...]


def _pl_matmul_sum(x, w, mask):
    n, ci = x.shape
    co = w.shape[1]
    blk = min(n, _BLK)
    grid = n // blk
    z, acc = pl.pallas_call(
        _matmul_sum_kernel,
        grid=(grid,),
        in_specs=[
            pl.BlockSpec((blk, ci), lambda i: (i, 0)),
            pl.BlockSpec((ci, co), lambda i: (0, 0)),
            pl.BlockSpec((blk, 1), lambda i: (i, 0)),
        ],
        out_specs=[
            pl.BlockSpec((blk, co), lambda i: (i, 0)),
            pl.BlockSpec((1, co), lambda i: (0, 0)),
        ],
        out_shape=[
            jax.ShapeDtypeStruct((n, co), jnp.float32),
            jax.ShapeDtypeStruct((1, co), jnp.float32),
        ],
    )(x, w, mask)
    return z, acc


def _pl_var(z, mask, mu):
    n, co = z.shape
    blk = min(n, _BLK)
    grid = n // blk
    return pl.pallas_call(
        _var_kernel,
        grid=(grid,),
        in_specs=[
            pl.BlockSpec((blk, co), lambda i: (i, 0)),
            pl.BlockSpec((blk, 1), lambda i: (i, 0)),
            pl.BlockSpec((1, co), lambda i: (0, 0)),
        ],
        out_specs=pl.BlockSpec((1, co), lambda i: (0, 0)),
        out_shape=jax.ShapeDtypeStruct((1, co), jnp.float32),
    )(z, mask, mu)


def _pl_norm_relu(z, mu, sd):
    n, co = z.shape
    blk = min(n, _BLK)
    grid = n // blk
    return pl.pallas_call(
        _norm_relu_kernel,
        grid=(grid,),
        in_specs=[
            pl.BlockSpec((blk, co), lambda i: (i, 0)),
            pl.BlockSpec((1, co), lambda i: (0, 0)),
            pl.BlockSpec((1, co), lambda i: (0, 0)),
        ],
        out_specs=pl.BlockSpec((blk, co), lambda i: (i, 0)),
        out_shape=jax.ShapeDtypeStruct((n, co), jnp.float32),
    )(z, mu, sd)


def _pl_linear_bias(x, w, b):
    n, ci = x.shape
    co = w.shape[1]
    blk = min(n, _BLK)
    grid = n // blk
    return pl.pallas_call(
        _linear_bias_kernel,
        grid=(grid,),
        in_specs=[
            pl.BlockSpec((blk, ci), lambda i: (i, 0)),
            pl.BlockSpec((ci, co), lambda i: (0, 0)),
            pl.BlockSpec((1, co), lambda i: (0, 0)),
        ],
        out_specs=pl.BlockSpec((blk, co), lambda i: (i, 0)),
        out_shape=jax.ShapeDtypeStruct((n, co), jnp.float32),
    )(x, w, b.reshape(1, co))


def _mlp_bn(h, ws, mask):
    m2 = mask[:, None]
    denom = jnp.sum(mask)
    for w in ws:
        z, s1 = _pl_matmul_sum(h, w, m2)
        mu = s1 / denom
        var = _pl_var(z, m2, mu) / denom
        sd = jnp.sqrt(var + _EPS)
        h = _pl_norm_relu(z, mu, sd)
    return h


def _fps(pos, m):
    d0 = jnp.sum((pos - pos[0]) ** 2, axis=1)

    def step(carry, _):
        dists, last = carry
        d = jnp.sum((pos - pos[last]) ** 2, axis=1)
        dists = jnp.minimum(dists, d)
        nxt = jnp.argmax(dists).astype(jnp.int32)
        return (dists, nxt), nxt

    _, rest = jax.lax.scan(step, (d0, jnp.int32(0)), None, length=m - 1)
    return jnp.concatenate([jnp.zeros((1,), jnp.int32), rest])


def _radius_knn(pos_src, pos_dst, r):
    d2 = jnp.sum((pos_dst[:, None, :] - pos_src[None, :, :]) ** 2, axis=-1)
    scored = jnp.where(d2 <= r * r, -d2, -1e30)
    vals, idx = jax.lax.top_k(scored, _KN)
    return idx, vals > -1e20


def _set_abstraction(x, pos, ratio, r, ws):
    sg = jax.lax.stop_gradient
    m = int(pos.shape[1] * ratio)
    sel = jax.vmap(lambda p: _fps(p, m))(sg(pos))
    pos_dst = jnp.take_along_axis(pos, sel[:, :, None], axis=1)
    idx, valid = jax.vmap(lambda ps, pd: _radius_knn(ps, pd, r))(sg(pos), sg(pos_dst))
    pos_j = jax.vmap(lambda p, i: p[i])(pos, idx)
    rel = pos_j - pos_dst[:, :, None, :]
    if x is None:
        msg = rel
    else:
        x_j = jax.vmap(lambda xx, i: xx[i])(x, idx)
        msg = jnp.concatenate([x_j, rel], axis=-1)
    bn, mn, kn, cn = msg.shape
    h = _mlp_bn(msg.reshape(bn * mn * kn, cn), ws,
                valid.reshape(-1).astype(jnp.float32))
    h = h.reshape(bn, mn, kn, -1)
    h = jnp.where(valid[..., None], h, -1e30)
    return jnp.max(h, axis=2), pos_dst


def _knn_interpolate(x_c, pos_c, pos_f, k=3):
    def one(xc, pc, pf):
        d2 = jnp.sum((pf[:, None, :] - pc[None, :, :]) ** 2, axis=-1)
        neg, idx = jax.lax.top_k(-d2, k)
        w = 1.0 / jnp.maximum(-neg, 1e-16)
        xk = xc[idx]
        return jnp.sum(w[:, :, None] * xk, axis=1) / jnp.sum(w, axis=1, keepdims=True)

    return jax.vmap(one)(x_c, pos_c, pos_f)


def kernel(pos, batch, W1a, W1b, W1c, W2a, W2b, W2c, Wf2a, Wf2b, Wf1a, Wf1b,
           Wr1, Wr2, br2, Wc1, Wc2, bc2):
    b = pos.shape[0] // _P
    m1, m2 = _P // 2, _P // 8
    posb = pos.reshape(b, _P, 3)
    x1, pos1 = _set_abstraction(None, posb, 0.5, _R1, [W1a, W1b, W1c])
    x2, pos2 = _set_abstraction(x1, pos1, 0.25, _R2, [W2a, W2b, W2c])
    summary_pos = pos2.reshape(b * m2, 3)
    xi = _knn_interpolate(x2, pos2, pos1)
    h = jnp.concatenate([xi, x1], axis=-1).reshape(b * m1, 384)
    ones1 = jnp.ones((b * m1,), jnp.float32)
    x1_up = _mlp_bn(h, [Wf2a, Wf2b], ones1).reshape(b, m1, 128)
    xi0 = _knn_interpolate(x1_up, pos1, posb).reshape(b * _P, 128)
    ones0 = jnp.ones((b * _P,), jnp.float32)
    x0_up = _mlp_bn(xi0, [Wf1a, Wf1b], ones0)
    rh = _mlp_bn(x0_up, [Wr1], ones0)
    recon_pos = _pl_linear_bias(rh, Wr2, br2)
    g = jnp.max(x2, axis=1)
    ch = _mlp_bn(g, [Wc1], jnp.ones((b,), jnp.float32))
    logits = _pl_linear_bias(ch, Wc2, bc2)
    return summary_pos, recon_pos, logits

# --- scband reference (transcript-rebuilt; emitter-appended) ---
"""Pipeline reference for scband-geo-conv-net3-dpcsummariser-8323646619923 (READ-ONLY COPY).

The authoritative reference and input builder live on the scoring server;
editing this copy changes nothing except your own understanding.
"""

import jax, jax.numpy as jnp
import numpy as np

B, P = 8, 1024
M1, M2 = P // 2, P // 8
KN = 64
R1, R2 = 0.2, 0.4
NUM_CLASSES = 40
EPS = 1e-5

def _w(k, fi, fo):
    return jax.random.normal(k, (fi, fo), dtype=jnp.float32) * (2.0 / fi) ** 0.5

def setup_inputs(seed: int = 0):
    key = jax.random.key(seed)
    ks = jax.random.split(key, 15)
    pos = jax.random.uniform(ks[0], (B * P, 3), dtype=jnp.float32)
    batch = jnp.repeat(jnp.arange(B, dtype=jnp.int32), P)
    return {'pos': pos, 'batch': batch,
            'W1a': _w(ks[1], 3, 64), 'W1b': _w(ks[2], 64, 64), 'W1c': _w(ks[3], 64, 128),
            'W2a': _w(ks[4], 131, 128), 'W2b': _w(ks[5], 128, 128), 'W2c': _w(ks[6], 128, 256),
            'Wf2a': _w(ks[7], 384, 128), 'Wf2b': _w(ks[8], 128, 128),
            'Wf1a': _w(ks[9], 128, 64), 'Wf1b': _w(ks[10], 64, 64),
            'Wr1': _w(ks[11], 64, 64), 'Wr2': _w(ks[12], 64, 3), 'br2': jnp.zeros((3,), jnp.float32),
            'Wc1': _w(ks[13], 256, 128), 'Wc2': _w(ks[14], 128, NUM_CLASSES), 'bc2': jnp.zeros((NUM_CLASSES,), jnp.float32)}

def _fps(pos, m):
    d0 = jnp.sum((pos - pos[0]) ** 2, axis=1)
    def step(carry, _):
        dists, last = carry
        d = jnp.sum((pos - pos[last]) ** 2, axis=1)
        dists = jnp.minimum(dists, d)
        nxt = jnp.argmax(dists).astype(jnp.int32)
        return (dists, nxt), nxt
    _, rest = jax.lax.scan(step, (d0, jnp.int32(0)), None, length=m - 1)
    return jnp.concatenate([jnp.zeros((1,), jnp.int32), rest])

def _radius_knn(pos_src, pos_dst, r):
    d2 = jnp.sum((pos_dst[:, None, :] - pos_src[None, :, :]) ** 2, axis=-1)
    scored = jnp.where(d2 <= r * r, -d2, -1e30)
    vals, idx = jax.lax.top_k(scored, KN)
    return idx, vals > -1e20

def _mlp_bn(h, Ws, mask):
    denom = jnp.sum(mask)
    for W in Ws:
        h = h @ W
        mu = jnp.sum(h * mask[:, None], axis=0) / denom
        var = jnp.sum(((h - mu) ** 2) * mask[:, None], axis=0) / denom
        h = jax.nn.relu((h - mu) / jnp.sqrt(var + EPS))
    return h

def _set_abstraction(x, pos, ratio, r, Ws):
    sg = jax.lax.stop_gradient
    m = int(pos.shape[1] * ratio)
    sel = jax.vmap(lambda p: _fps(p, m))(sg(pos))
    pos_dst = jnp.take_along_axis(pos, sel[:, :, None], axis=1)
    idx, valid = jax.vmap(lambda ps, pd: _radius_knn(ps, pd, r))(sg(pos), sg(pos_dst))
    pos_j = jax.vmap(lambda p, i: p[i])(pos, idx)
    rel = pos_j - pos_dst[:, :, None, :]
    if x is None:
        msg = rel
    else:
        x_j = jax.vmap(lambda xx, i: xx[i])(x, idx)
        msg = jnp.concatenate([x_j, rel], axis=-1)
    Bn, Mn, Kn, Cn = msg.shape
    h = _mlp_bn(msg.reshape(Bn * Mn * Kn, Cn), Ws, valid.reshape(-1).astype(jnp.float32))
    h = h.reshape(Bn, Mn, Kn, -1)
    h = jnp.where(valid[..., None], h, -1e30)
    return jnp.max(h, axis=2), pos_dst

def _knn_interpolate(x_c, pos_c, pos_f, k=3):
    def one(xc, pc, pf):
        d2 = jnp.sum((pf[:, None, :] - pc[None, :, :]) ** 2, axis=-1)
        neg, idx = jax.lax.top_k(-d2, k)
        w = 1.0 / jnp.maximum(-neg, 1e-16)
        xk = xc[idx]
        return jnp.sum(w[:, :, None] * xk, axis=1) / jnp.sum(w, axis=1, keepdims=True)
    return jax.vmap(one)(x_c, pos_c, pos_f)

def _forward(pos, W1a, W1b, W1c, W2a, W2b, W2c, Wf2a, Wf2b, Wf1a, Wf1b, Wr1, Wr2, br2, Wc1, Wc2, bc2):
    posb = pos.reshape(B, P, 3)
    x1, pos1 = _set_abstraction(None, posb, 0.5, R1, [W1a, W1b, W1c])
    x2, pos2 = _set_abstraction(x1, pos1, 0.25, R2, [W2a, W2b, W2c])
    summary_pos = pos2.reshape(B * M2, 3)
    xi = _knn_interpolate(x2, pos2, pos1)
    h = jnp.concatenate([xi, x1], axis=-1).reshape(B * M1, 384)
    x1_up = _mlp_bn(h, [Wf2a, Wf2b], jnp.ones((B * M1,), jnp.float32)).reshape(B, M1, 128)
    xi0 = _knn_interpolate(x1_up, pos1, posb).reshape(B * P, 128)
    x0_up = _mlp_bn(xi0, [Wf1a, Wf1b], jnp.ones((B * P,), jnp.float32))
    rh = _mlp_bn(x0_up, [Wr1], jnp.ones((B * P,), jnp.float32))
    recon_pos = rh @ Wr2 + br2
    g = jnp.max(x2, axis=1)
    ch = _mlp_bn(g, [Wc1], jnp.ones((B,), jnp.float32))
    logits = ch @ Wc2 + bc2
    return summary_pos, recon_pos, logits

def reference(pos, batch, W1a, W1b, W1c, W2a, W2b, W2c, Wf2a, Wf2b, Wf1a, Wf1b, Wr1, Wr2, br2, Wc1, Wc2, bc2):
    return _forward(pos, W1a, W1b, W1c, W2a, W2b, W2c, Wf2a, Wf2b, Wf1a, Wf1b, Wr1, Wr2, br2, Wc1, Wc2, bc2)

if __name__ == "__main__":
    import jax
    _d = setup_inputs()
    print(jax.jit(kernel)(*tuple(_d.values())))

</pallas_src>

<mosaic_0001>
module attributes {stable_mosaic.version = 14 : i64} {
  func.func @_linear_bias_kernel(%arg0: i32, %arg1: memref<4096x64xf32, #tpu.memory_space<vmem>>, %arg2: memref<64x3xf32, #tpu.memory_space<vmem>>, %arg3: memref<1x3xf32, #tpu.memory_space<vmem>>, %arg4: memref<4096x3xf32, #tpu.memory_space<vmem>>) attributes {dimension_semantics = [#tpu.dimension_semantics<arbitrary>], iteration_bounds = array<i64: 2>, scalar_prefetch = 0 : i64, scratch_operands = 0 : i64, tpu.core_type = #tpu.core_type<tc>, window_params = [{transform_indices = @transform_0, window_bounds = array<i64: 4096, 64>}, {pipeline_mode = #tpu.pipeline_mode<synchronous>, transform_indices = @transform_1, window_bounds = array<i64: 64, 3>}, {pipeline_mode = #tpu.pipeline_mode<synchronous>, transform_indices = @transform_2, window_bounds = array<i64: 1, 3>}, {transform_indices = @transform_3, window_bounds = array<i64: 4096, 3>}]} {
    %get3A = arith.constant 0 : index
    %get3A_0 = arith.constant 0 : index
    %get3A_1 = vector.load %arg1[%get3A, %get3A_0] : memref<4096x64xf32, #tpu.memory_space<vmem>>, vector<4096x64xf32>
    %get3A_2 = arith.constant 0 : index
    %get3A_3 = arith.constant 0 : index
    %get3A_4 = vector.load %arg2[%get3A_2, %get3A_3] : memref<64x3xf32, #tpu.memory_space<vmem>>, vector<64x3xf32>
    %dot_general3A = arith.constant dense<0.000000e+00> : vector<4096x3xf32>
    %dot_general3A_5 = tpu.matmul %get3A_1, %get3A_4, %dot_general3A {dimension_numbers = #tpu.dot_dimension_numbers<[1], [0], [0], [1], [0, 0, 1, 1], [], []>, transpose_lhs_hint = false} : vector<4096x64xf32>, vector<64x3xf32>, vector<4096x3xf32> -> vector<4096x3xf32>
    %get3A_6 = arith.constant 0 : index
    %get3A_7 = arith.constant 0 : index
    %get3A_8 = vector.load %arg3[%get3A_6, %get3A_7] : memref<1x3xf32, #tpu.memory_space<vmem>>, vector<1x3xf32>
    %add3A = vector.broadcast %get3A_8 : vector<1x3xf32> to vector<4096x3xf32>
    %add3A_9 = arith.addf %dot_general3A_5, %add3A : vector<4096x3xf32>
    %swap3A = arith.constant 0 : index
    %swap3A_10 = arith.constant 0 : index
    %swap3A_11 = vector.load %arg4[%swap3A, %swap3A_10] : memref<4096x3xf32, #tpu.memory_space<vmem>>, vector<4096x3xf32>
    tpu.vector_store %arg4[%swap3A, %swap3A_10], %add3A_9 {strides = array<i32>} : memref<4096x3xf32, #tpu.memory_space<vmem>>, vector<4096x3xf32>,
    return
  }
  func.func @transform_0(%arg0: i32) -> (i32, i32) {
    %c0_i32 = arith.constant 0 : i32
    %c0_i32_0 = arith.constant 0 : i32
    return %arg0, %c0_i32 : i32, i32
  }
  func.func @transform_1(%arg0: i32) -> (i32, i32) {
    %c0_i32 = arith.constant 0 : i32
    %c0_i32_0 = arith.constant 0 : i32
    %c0_i32_1 = arith.constant 0 : i32
    return %c0_i32, %c0_i32_0 : i32, i32
  }
  func.func @transform_2(%arg0: i32) -> (i32, i32) {
    %c0_i32 = arith.constant 0 : i32
    %c0_i32_0 = arith.constant 0 : i32
    %c0_i32_1 = arith.constant 0 : i32
    return %c0_i32, %c0_i32_0 : i32, i32
  }
  func.func @transform_3(%arg0: i32) -> (i32, i32) {
    %c0_i32 = arith.constant 0 : i32
    %c0_i32_0 = arith.constant 0 : i32
    return %arg0, %c0_i32 : i32, i32
  }
}

module attributes {stable_mosaic.version = 14 : i64} {
  func.func @_linear_bias_kernel(%arg0: i32, %arg1: memref<8x128xf32, #tpu.memory_space<vmem>>, %arg2: memref<128x40xf32, #tpu.memory_space<vmem>>, %arg3: memref<1x40xf32, #tpu.memory_space<vmem>>, %arg4: memref<8x40xf32, #tpu.memory_space<vmem>>) attributes {dimension_semantics = [#tpu.dimension_semantics<arbitrary>], iteration_bounds = array<i64: 1>, scalar_prefetch = 0 : i64, scratch_operands = 0 : i64, tpu.core_type = #tpu.core_type<tc>, window_params = [{transform_indices = @transform_0, window_bounds = array<i64: 8, 128>}, {pipeline_mode = #tpu.pipeline_mode<synchronous>, transform_indices = @transform_1, window_bounds = array<i64: 128, 40>}, {pipeline_mode = #tpu.pipeline_mode<synchronous>, transform_indices = @transform_2, window_bounds = array<i64: 1, 40>}, {transform_indices = @transform_3, window_bounds = array<i64: 8, 40>}]} {
    %get3A = arith.constant 0 : index
    %get3A_0 = arith.constant 0 : index
    %get3A_1 = vector.load %arg1[%get3A, %get3A_0] : memref<8x128xf32, #tpu.memory_space<vmem>>, vector<8x128xf32>
    %get3A_2 = arith.constant 0 : index
    %get3A_3 = arith.constant 0 : index
    %get3A_4 = vector.load %arg2[%get3A_2, %get3A_3] : memref<128x40xf32, #tpu.memory_space<vmem>>, vector<128x40xf32>
    %dot_general3A = arith.constant dense<0.000000e+00> : vector<8x40xf32>
    %dot_general3A_5 = tpu.matmul %get3A_1, %get3A_4, %dot_general3A {dimension_numbers = #tpu.dot_dimension_numbers<[1], [0], [0], [1], [0, 0, 1, 1], [], []>, transpose_lhs_hint = false} : vector<8x128xf32>, vector<128x40xf32>, vector<8x40xf32> -> vector<8x40xf32>
    %get3A_6 = arith.constant 0 : index
    %get3A_7 = arith.constant 0 : index
    %get3A_8 = vector.load %arg3[%get3A_6, %get3A_7] : memref<1x40xf32, #tpu.memory_space<vmem>>, vector<1x40xf32>
    %add3A = vector.broadcast %get3A_8 : vector<1x40xf32> to vector<8x40xf32>
    %add3A_9 = arith.addf %dot_general3A_5, %add3A : vector<8x40xf32>
    %swap3A = arith.constant 0 : index
    %swap3A_10 = arith.constant 0 : index
    %swap3A_11 = vector.load %arg4[%swap3A, %swap3A_10] : memref<8x40xf32, #tpu.memory_space<vmem>>, vector<8x40xf32>
    tpu.vector_store %arg4[%swap3A, %swap3A_10], %add3A_9 {strides = array<i32>} : memref<8x40xf32, #tpu.memory_space<vmem>>, vector<8x40xf32>,
    return
  }
  func.func @transform_0(%arg0: i32) -> (i32, i32) {
    %c0_i32 = arith.constant 0 : i32
    %c0_i32_0 = arith.constant 0 : i32
    return %arg0, %c0_i32 : i32, i32
  }
  func.func @transform_1(%arg0: i32) -> (i32, i32) {
    %c0_i32 = arith.constant 0 : i32
    %c0_i32_0 = arith.constant 0 : i32
    %c0_i32_1 = arith.constant 0 : i32
    return %c0_i32, %c0_i32_0 : i32, i32
  }
  func.func @transform_2(%arg0: i32) -> (i32, i32) {
    %c0_i32 = arith.constant 0 : i32
    %c0_i32_0 = arith.constant 0 : i32
    %c0_i32_1 = arith.constant 0 : i32
    return %c0_i32, %c0_i32_0 : i32, i32
  }
  func.func @transform_3(%arg0: i32) -> (i32, i32) {
    %c0_i32 = arith.constant 0 : i32
    %c0_i32_0 = arith.constant 0 : i32
    return %arg0, %c0_i32 : i32, i32
  }
}

</mosaic_0001>

<sc_bundles>
// kernel: gather_offload_async_start
scs
__scs_entry_jumppad:
0x0: {  	(pc) =	sbr.rel $0x88, $3  }
0x1: {  	(tag) =	ssettag $0x0;
	lr =	simm.s32 $0x1  }
0x2: {  	[smem:$0x3F90] =	sst lr;
	_ =	strace $0xD0000000  }
0x3: {  	_ = 	snop  }
0x4: {  	_ = 	snop  }
0x5: {  	_ = 	snop  }
0x6: {  	_ = 	snop  }
0x7: {  	_ = 	snop  }
__scs_overlays_trampoline_lowered:
0x8: {  	[smem:$0x3F9F] =	sst s0  }
0x9: {  	[smem:$0x3FA0] =	sst s1  }
0xa: {  	[smem:$0x3FA1] =	sst s2  }
0xb: {  	[smem:$0x3FA2] =	sst s3  }
0xc: {  	[smem:$0x3FA3] =	sst s4  }
0xd: {  	[smem:$0x3FA4] =	sst s5  }
0xe: {  	[smem:$0x3FA5] =	sst s6  }
0xf: {  	[smem:$0x3FA6] =	sst s7  }
0x10: {  	[smem:$0x3FA7] =	sst s8  }
0x11: {  	[smem:$0x3FA8] =	sst s9;
	s0 =	simm.s32 @!p0 $0x0  }
0x12: {  	s1 =	sld [smem:$0x3F8E];
	s0 =	simm.s32 @p0 $0x1  }
0x13: {  	[smem:$0x3FA9] =	sst s0;
	s0 =	simm.s32 @!p1 $0x0  }
0x14: {  	s2 =	sld [smem:$0x3F8D];
	s0 =	simm.s32 @p1 $0x1  }
0x15: {  	[smem:$0x3FAA] =	sst s0;
	s0 =	simm.s32 @!p2 $0x0  }
0x16: {  	s3 =	sld [smem:$0x3FDB];
	s0 =	simm.s32 @p2 $0x1  }
0x17: {  	s4 =	simm.s32 $0x1BF5;
	[smem:$0x3FAC] =	sst s0  }
0x18: {  	s0 =	sld [smem:$0x3F8F];
	_ =	swait.ge [sflag:s4], $0x0  }
0x19: {  	s7 =	sld [smem:$0x3F90]  }
0x1a: {  	s8 =	sadd.s32 $0xFFFFE003, lr  }
0x1b: {  	s9 =	sadd.s32 $0xFFFFFEF7, lr;
	s5 =	simm.s32 $0xFFFFFFFF;
	p2 =	slt.u32 s8, $0xFFFFF086  }
0x1c: {  	p1 =	slt.u32 s9, $0xF7A;
	s5 =	simm.s32 @!p2 $0x0  }
0x1d: {  	s5 =	simm.s32 @p1 $0x1;
	p0 =	seq.s32 s7, s2  }
0x1e: {  	s7 =	smul.u32 @!p0 $0xF7A, s2;
	p2 =	seq.s32 @!p0 s5, $0x0  }
0x1f: {  	s9 =	smul.u32 $0xF7A, s1;
	s8 =	simm.s32 @!p0 $0x1BF5;
	p2 =	por !p2, p0  }
0x20: {  	[sflag:s8] =	ssyncset.s32 @!p0 $0xFFFFF086;
	s6 =	sadd.s32 @!p0 s3, s7;
	s7 =	simm.s32 @!p0 $0x108  }
0x21: {  	s3 =	sadd.s32 s3, s9;
	s6 =	sadd.s32 @!p0 $0x88, s6;
	s7 =	simm.s32 @p2 $0x1082  }
0x22: {  	[simem:s7], [sflag:s8] =	dma.local @!p0 [hbm:s6], $0xF7A  }
0x23: {  	s9 =	sor.u32 $0xD0000000, s2;
	s6 =	simm.s32 $0x108;
	_ =	swait.ge @!p0 [sflag:s8], $0x0  }
0x24: {  	s3 =	sadd.s32 $0x88, s3;
	s6 =	simm.s32 @!p1 $0x1082;
	[sflag:s4] =	ssyncset.s32 $0xFFFFF086  }
0x25: {  	[simem:s6], [sflag:s4] =	dma.local [hbm:s3], $0xF7A  }
0x26: {  	[smem:$0x3F90] =	sst s1;
	(tag) =	ssettag s2;
	_ =	strace s9  }
0x27: {  	s1 =	sld [smem:$0x3FA0]  }
0x28: {  	s2 =	sld [smem:$0x3FA1]  }
0x29: {  	s4 =	sld [smem:$0x3FA3]  }
0x2a: {  	p0 =	seq.s32 s5, $0x0;
	s5 =	sld [smem:$0x3FA4]  }
0x2b: {  	s6 =	sld [smem:$0x3FA5]  }
0x2c: {  	s7 =	sld [smem:$0x3FA6]  }
0x2d: {  	s3 =	simm.s32 $0x108;
	s8 =	sld [smem:$0x3FA7]  }
0x2e: {  	s3 =	simm.s32 @!p0 $0x1082;
	s9 =	sld [smem:$0x3FA8]  }
0x2f: {  	lr =	sadd.s32 s0, s3;
	s0 =	sld [smem:$0x3F9F]  }
0x30: {  	s3 =	sld [smem:$0x3FA2]  }
0x31: {  	[smem:$0x3FAB] =	sst s10  }
0x32: {  	s10 =	sld [smem:$0x3FA9];
	_ =	sdelay $0x3  }
0x33: {  	p0 =	seq.s32 s10, $0x1;
	s10 =	sld [smem:$0x3FAB];
	_ =	sdelay $0x3  }
0x34: {  	[smem:$0x3FAB] =	sst s10  }
0x35: {  	s10 =	sld [smem:$0x3FAA];
	_ =	sdelay $0x3  }
0x36: {  	p1 =	seq.s32 s10, $0x1;
	s10 =	sld [smem:$0x3FAB];
	_ =	sdelay $0x3  }
0x37: {  	[smem:$0x3FAB] =	sst s10  }
0x38: {  	s10 =	sld [smem:$0x3FAC]  }
0x39: {  	_ = 	snop;
	(pc) =	sbr.ind lr, $3  }
0x3a: {  	_ = 	snop  }
0x3b: {  	_ = 	snop  }
0x3c: {  	p2 =	seq.s32 s10, $0x1;
	s10 =	sld [smem:$0x3FAB]  }
0x3d: {  	_ =	shalt  }
0x3e: {  	_ =	shalt  }
0x3f: {  	_ =	shalt  }
0x40: {  	_ =	shalt  }
0x41: {  	_ =	shalt  }
0x42: {  	_ =	shalt  }
0x43: {  	_ =	shalt  }
0x44: {  	_ =	shalt  }
0x45: {  	_ =	shalt  }
0x46: {  	_ =	shalt  }
0x47: {  	_ =	shalt  }
0x48: {  	_ =	shalt  }
0x49: {  	_ =	shalt  }
0x4a: {  	_ =	shalt  }
0x4b: {  	_ =	shalt  }
0x4c: {  	_ =	shalt  }
0x4d: {  	_ =	shalt  }
0x4e: {  	_ =	shalt  }
0x4f: {  	_ =	shalt  }
0x50: {  	_ =	shalt  }
0x51: {  	_ =	shalt  }
0x52: {  	_ =	shalt  }
0x53: {  	_ =	shalt  }
0x54: {  	_ =	shalt  }
0x55: {  	_ =	shalt  }
0x56: {  	_ =	shalt  }
0x57: {  	_ =	shalt  }
0x58: {  	_ =	shalt  }
0x59: {  	_ =	shalt  }
0x5a: {  	_ =	shalt  }
0x5b: {  	_ =	shalt  }
0x5c: {  	_ =	shalt  }
0x5d: {  	_ =	shalt  }
0x5e: {  	_ =	shalt  }
0x5f: {  	_ =	shalt  }
0x60: {  	_ =	shalt  }
0x61: {  	_ =	shalt  }
0x62: {  	_ =	shalt  }
0x63: {  	_ =	shalt  }
0x64: {  	_ =	shalt  }
0x65: {  	_ =	shalt  }
0x66: {  	_ =	shalt  }
0x67: {  	_ =	shalt  }
0x68: {  	_ =	shalt  }
0x69: {  	_ =	shalt  }
0x6a: {  	_ =	shalt  }
0x6b: {  	_ =	shalt  }
0x6c: {  	_ =	shalt  }
0x6d: {  	_ =	shalt  }
0x6e: {  	_ =	shalt  }
0x6f: {  	_ =	shalt  }
0x70: {  	_ =	shalt  }
0x71: {  	_ =	shalt  }
0x72: {  	_ =	shalt  }
0x73: {  	_ =	shalt  }
0x74: {  	_ =	shalt  }
0x75: {  	_ =	shalt  }
0x76: {  	_ =	shalt  }
0x77: {  	_ =	shalt  }
0x78: {  	_ =	shalt  }
0x79: {  	_ =	shalt  }
0x7a: {  	_ =	shalt  }
0x7b: {  	_ =	shalt  }
0x7c: {  	_ =	shalt  }
0x7d: {  	_ =	shalt  }
0x7e: {  	_ =	shalt  }
0x7f: {  	_ =	shalt  }
0x80: {  	_ =	shalt  }
0x81: {  	_ =	shalt  }
0x82: {  	_ =	shalt  }
0x83: {  	_ =	shalt  }
0x84: {  	_ =	shalt  }
0x85: {  	_ =	shalt  }
0x86: {  	_ =	shalt  }
0x87: {  	_ =	shalt  }
.Lfunc_end0:
.L_simem_size_0:
called_computation_lowered:
.L_overlay_start_0:
0x88: {  	s2 =	sld [smem:$0x3FD9]  }
0x89: {  	s3 =	sld [smem:$0x3FFE];
	_ =	sdelay $0x1  }
0x8a: {  	s1 =	srdreg.scid  }
0x8b: {  	s0 =	sand.u32 $0x1, s1  }
0x8c: {  	s14 =	sshll.u32 s0, $0xA;
	s2 =	sadd.s32 s3, s2  }
0x8d: {  	s2 =	sadd.s32 s2, s14  }
0x8e: {  	[smem:$0x3FB7] =	sst s2  }
0x8f: {  	_ = 	snop  }
0x90: {  	s2 =	sld [smem:$0x3FD0];
	_ =	sdelay $0x2  }
0x91: {  	s15 =	simm.s32 $0xA;
	s4 =	simm.s32 $0x10  }
0x92: {  	[smem:s4], [sflag:s15] =	dma.local [hbm:s2], $0x1  }
0x93: {  	_ =	swait.eq [sflag:s15], $0x1  }
0x94: {  	[sflag:s15] =	ssyncset.done $0x0  }
0x95: {  	[sflag:s15] =	ssyncadd.s32 $0xFFFFFFFF  }
0x96: {  	s16 =	sld [smem:$0x10];
	(tm) =	ssettm $0x1  }
0x97: {  	s17 =	sld [smem:$0x3FFB];
	_ =	sdelay $0x3  }
0x98: {  	_ =	strace s17  }
0x99: {  	s3 =	sld [smem:$0x3FFC];
	_ =	sdelay $0x3  }
0x9a: {  	_ =	strace s3  }
0x9b: {  	s3 =	sld [smem:$0x3FFD];
	_ =	sdelay $0x3  }
0x9c: {  	_ =	strace s3  }
0x9d: {  	_ =	strace $0x8FFFFFFF  }
0x9e: {  	s18 =	sld [smem:$0x3FDB];
	_ =	sdelay $0x1  }
0x9f: {  	s19 =	simm.s32 $_scs_section_size  }
0xa0: {  	s5 =	simm.s32 $_size__tile_overlayer_lowered;
	s6 =	simm.s32 $_tile_overlayer_lowered  }
0xa1: {  	s22 =	simm.s32 $0x1BFF;
	s21 =	sshll.u32 s6, $0x1;
	s3 =	sadd.s32 s19, s18  }
0xa2: {  	s7 =	simm.s32 $0x0;
	s20 =	sshll.u32 s5, $0x1;
	s5 =	sadd.s32 s21, s3  }
0xa3: {  	[timem:s7], [sflag:s22] =	dma.local [hbm:s5], s20  }
0xa4: {  	_ =	swait.ge [sflag:s22], s20  }
0xa5: {  	s4 =	ssub.s32 $0x0, s20;
	[sflag:s22] =	ssyncset.done $0x0  }
0xa6: {  	[sflag:s22] =	ssyncadd.s32 s4;
	_ =	sdelay $0x1  }
0xa7: {  	s23 =	simm.s32 $0x1B8B  }
0xa8: {  	_ =	swait.ge [sflag:s23], $0x1  }
0xa9: {  	[sflag:s23] =	ssyncset.done $0x0  }
0xaa: {  	s25 =	simm.s32 $0x1B8E;
	s24 =	sld [smem:$0x3FFE];
	[sflag:s23] =	ssyncadd.s32 $0xFFFFFFFF  }
0xab: {  	s26 =	simm.s32 $execute0_lowered;
	[smem:$0x3FD2] =	sst s25  }
0xac: {  	s5 =	sshll.u32 s26, $0x1;
	_ =	strace $0x80000046;
	[dreg:$0x1] =	wrdreg $0xFFFFFFFF  }
0xad: {  	s28 =	simm.s32 $_size_execute0_lowered;
	s3 =	sadd.s32 s3, s5;
	[dreg:$0x0] =	wrdreg $0x0  }
0xae: {  	s5 =	sshll.u32 s28, $0x1;
	[dreg:$0x2] =	wrdreg s3  }
0xaf: {  	[dreg:$0x3] =	wrdreg s5  }
0xb0: {  	[dreg:$0x4] =	wrdreg $0xC0  }
0xb1: {  	_ =	task [dreg:s7], $0x5FFFF  }
0xb2: {  	[dreg:$0x1] =	wrdreg $0xFFFFFFFF  }
0xb3: {  	[dreg:$0x0] =	wrdreg $0x60  }
0xb4: {  	[dreg:$0x2] =	wrdreg s24  }
0xb5: {  	[dreg:$0x3] =	wrdreg s16  }
0xb6: {  	[dreg:$0x4] =	wrdreg $0x9  }
0xb7: {  	_ =	task.clear_ibuf [dreg:s7], $0x5FFFF;
	_ =	strace $0x90000046  }
0xb8: {  	s29 =	simm.s32 $0x9;
	_ =	strace $0x80000048  }
0xb9: {  	_ =	swait.ge [sflag:s29], $0x1  }
0xba: {  	[sflag:s29] =	ssyncadd.s32 $0xFFFFFFFF  }
0xbb: {  	_ =	strace $0x90000048  }
0xbc: {  	_ =	sfence  }
0xbd: {  	s30 =	sld [smem:$0x0];
	_ =	sdelay $0x2  }
0xbe: {  	s31 =	sshll.u32 s1, $0xD;
	s1 =	sshrl.u32 s1, $0x2  }
0xbf: {  	s3 =	sand.u32 $0x4000, s31;
	s1 =	sadd.s32 s1, s30  }
0xc0: {  	s0 =	sor.u32 s3, s0;
	s1 =	sshll.u32 s1, $0x11  }
0xc1: {  	s0 =	sor.u32 s1, s0  }
0xc2: {  	s0 =	sadd.s32 $0x8F2B, s0  }
0xc3: {  	[sflag:s0] =	ssyncadd.remote.s32 $0x1  }
0xc4: {  	_ =	sfence.sel $0xFFFF  }
0xc5: {  	[dreg:$0x0] =	wrdreg $0xFFFFFFFF;
	(pc) =	sbr.abs _section_cstart, $3  }
0xc6: {  	[dreg:$0x1] =	wrdreg $0xFFFFFFFF  }
0xc7: {  	_ =	task.clear_ibuf [dreg:s7], $0x2FFFF;
	_ =	strace $0x9FFFFFFF  }
0xc8: {  	(tm) =	ssettm $0x7FFFFFFF  }
0xc9: {  	_ =	shalt  }
tec
execute0_lowered:
.L_overlay_start_1:
0x0: {  	(tag) =	ssettag $0x1  }
0x1: {  	s2 =	rddreg [dreg:$0x0]  }
0x2: {  	s3 =	rddreg [dreg:$0x1]  }
0x3: {  	s0 =	rddreg [dreg:$0x2];
	s1 =	srdreg.scid;
	_ =	strace $0x80000047  }
0x4: {  	s4 =	simm.s32 $0x1;
	s9 =	simm.s32 $0x3;
	s5 =	sshll.u32 s1, $0x4  }
.Ltmp0:
0x5: {  	s1 =	stileid.u32;
	s5 =	sand.u32 $0x10, s5;
	(pc) =	sbr.rel .LBB2_1-.Ltmp0, $4  }
0x6: {  	s12 =	simm.s32 $0x0;
	s10 =	simm.s32 $0x0;
	s6 =	sor.u32 s1, s5  }
0x7: {  	[sflag:s4] =	ssyncpa.u1 $0x0;
	s5 =	simm.s32 $0x2;
	s6 =	sshll.u32 s6, $0x7  }
0x8: {  	s7 =	sadd.s32 $0x20000, s2;
	[sflag:s5] =	ssyncpa.u1 $0x0;
	s8 =	sadd.s32 $0x80, s6  }
0x9: {  	vm0 =	vmmov $0xff;
	vm1 =	vcmask $0x3F20;
	[sflag:s9] =	ssyncpa.u1 $0x0;
	s9 =	simm.s32 $0x80;
	s11 =	smov.u32 s6  }
.LBB2_9:
0xa: {  	p0 =	seq.s32 s10, $0x2  }
.Ltmp1:
0xb: {  	_ = 	snop;
	(pc) =	sbr.rel @p0 .LBB2_11-.Ltmp1, $1  }
0xc: {  	_ =	sdelay $0x3  }
.LBB2_10:
0xd: {  	s12 =	sadd.s32 $0x80, s11  }
0xe: {  	s13 =	smov.u32 s6;
	p0 =	slt.s32 s12, s8  }
0xf: {  	s13 =	smov.u32 @p0 s12  }
0x10: {  	s10 =	sadd.s32 $0x1, s10;
	s12 =	smov.u32 s11;
	s11 =	smov.u32 s13  }
.LBB2_1:
0x11: {  	p0 =	sne.s32 s10, $0x0  }
.Ltmp2:
0x12: {  	_ = 	snop;
	(pc) =	sbr.rel @!p0 .LBB2_2-.Ltmp2, $1  }
0x13: {  	_ =	sdelay $0x3  }
0x14: {  	s13 =	sand.u32 $0x1, s10  }
0x15: {  	p0 =	seq.s32 s13, $0x0  }
.Ltmp3:
0x16: {  	_ = 	snop;
	(pc) =	sbr.rel @p0 .LBB2_9-.Ltmp3, $1  }
0x17: {  	_ =	sdelay $0x3  }
0x18: {  	_ =	swait.ge [sflag:s5], $0x80  }
0x19: {  	[sflag:s5] =	ssyncset.done $0x0  }
0x1a: {  	s13 =	simm.s32 $0x0;
	[sflag:s5] =	ssyncadd.s32 $0xFFFFFF80  }
0x1b: {  	v0 =	vld.msk [tilespmem:s13+$0x80 ss:$0x1], $0xffff;
	_ =	sdelay $0x4  }
0x1c: {  	v1 =	vshll.u32 v0, $0x4  }
0x1d: {  	vm2 =	veq.s32 v0, $0x80000000;
	v0 =	vshll.u32 v0, $0x11;
	v1 =	vand.u32 $0x1FF80, v1  }
0x1e: {  	v0 =	vand.u32 $0xE0000, v0;
	v1 =	vsel vm2, $0xFFFFFF80, v1  }
0x1f: {  	v0 =	vsel vm2, $0xFFFE0000, v0;
	v2 =	vand.u32 $0xFFFFFC00, v1  }
0x20: {  	v1 =	vand.u32 $0x380, v1;
	v0 =	vadd.s32 v0, v2  }
0x21: {  	v0 =	vor.u32 v1, v0  }
0x22: {  	v0 =	vshrl.u32 v0, $0x3;
	_ =	sdelay $0x3  }
0x23: {  	s13 =	simm.s32 $0x4100  }
0x24: {  	[tilespmem:s13], [sflag:$0x1] =	stream.indirect_vreg.gather [hbm:s2], $0x80, v0, vm0, $0x38;
	[tilespmem:$0x8100] =	vst v63  }
0x25: {  	s14 =	simm.s32 $0x4500;
	s31 =	simm.s32 $0x10  }
0x26: {  	[tilespmem:s14], [sflag:$0x1] =	stream.indirect_vreg.gather [hbm:s2], $0x80, v0, vm1, $0x38;
	[tilespmem:$0x8100] =	vst v63  }
0x27: {  	s14 =	simm.s32 $0x80;
	v0 =	vld.msk [tilespmem:s31+$0x80 ss:$0x1], $0xffff  }
.LBB2_5:
0x28: {  	p0 =	sne.s32 s14, $0x1C0;
	_ =	sdelay $0x4  }
0x29: {  	v1 =	vshll.u32 v0, $0x4  }
0x2a: {  	vm2 =	veq.s32 v0, $0x80000000;
	v0 =	vshll.u32 v0, $0x11;
	v1 =	vand.u32 $0x1FF80, v1  }
0x2b: {  	v0 =	vand.u32 $0xE0000, v0;
	v1 =	vsel vm2, $0xFFFFFF80, v1  }
0x2c: {  	v0 =	vsel vm2, $0xFFFE0000, v0;
	v2 =	vand.u32 $0xFFFFFC00, v1  }
0x2d: {  	v1 =	vand.u32 $0x380, v1;
	v0 =	vadd.s32 v0, v2  }
0x2e: {  	v0 =	vor.u32 v1, v0  }
0x2f: {  	v0 =	vshrl.u32 v0, $0x3;
	_ =	sdelay $0x3  }
.Ltmp4:
0x30: {  	s13 =	sadd.s32 $0x800, s13;
	(pc) =	sbr.rel @p0 .LBB2_5-.Ltmp4, $4  }
0x31: {  	[tilespmem:s13], [sflag:$0x1] =	stream.indirect_vreg.gather [hbm:s2], $0x80, v0, vm0, $0x38;
	[tilespmem:$0x8100] =	vst v63  }
0x32: {  	s15 =	sshra.s32 s14, $0x2;
	s16 =	sadd.s32 $0x400, s13  }
0x33: {  	[tilespmem:s16], [sflag:$0x1] =	stream.indirect_vreg.gather [hbm:s2], $0x80, v0, vm1, $0x38;
	[tilespmem:$0x8100] =	vst v63  }
0x34: {  	s14 =	sadd.s32 $0x40, s14;
	v0 =	vld.msk [tilespmem:s15+$0x80 ss:$0x1], $0xffff  }
0x35: {  	_ =	sdelay $0x3  }
0x36: {  	v1 =	vshll.u32 v0, $0x4  }
0x37: {  	vm2 =	veq.s32 v0, $0x80000000;
	v63 =	vshll.u32 v0, $0x11;
	v1 =	vand.u32 $0x1FF80, v1  }
0x38: {  	v0 =	vand.u32 $0xE0000, v63;
	v1 =	vsel vm2, $0xFFFFFF80, v1  }
0x39: {  	v0 =	vsel vm2, $0xFFFE0000, v0;
	v2 =	vand.u32 $0xFFFFFC00, v1  }
0x3a: {  	v1 =	vand.u32 $0x380, v1;
	v0 =	vadd.s32 v0, v2  }
0x3b: {  	v0 =	vor.u32 v1, v0  }
0x3c: {  	v0 =	vshrl.u32 v0, $0x3;
	_ =	sdelay $0x3  }
0x3d: {  	s13 =	sadd.s32 $0x800, s13  }
0x3e: {  	[tilespmem:s13], [sflag:$0x1] =	stream.indirect_vreg.gather [hbm:s2], $0x80, v0, vm0, $0x38;
	[tilespmem:$0x8100] =	vst v63  }
0x3f: {  	s13 =	sadd.s32 $0x400, s13  }
0x40: {  	[tilespmem:s13], [sflag:$0x1] =	stream.indirect_vreg.gather [hbm:s2], $0x80, v0, vm1, $0x38;
	[tilespmem:$0x8100] =	vst v63  }
0x41: {  	s12 =	sshll.u32 s12, $0x4;
	s14 =	simm.s32 $0x80;
	_ =	swait.ge [sflag:s4], $0x4000  }
0x42: {  	s15 =	simm.s32 $0x4500;
	s12 =	sadd.s32 s12, s7;
	[sflag:s4] =	ssyncset.done $0x0  }
0x43: {  	s16 =	sadd.s32 $0x0, s12;
	s13 =	simm.s32 $0x4100;
	[sflag:s4] =	ssyncadd.s32 $0xFFFFC000  }
.LBB2_7:
0x44: {  	[hbm:s16] =	stream.linear.scatter [tilespmem:s13], [sflag:$0x3], $0x400, $0x38;
	[tilespmem:$0x8100] =	vst v63  }
0x45: {  	s16 =	smov.u32 s14;
	s13 =	smov.u32 s15;
	p0 =	sne.s32 s14, $0x780  }
.Ltmp5:
0x46: {  	s14 =	sadd.s32 $0x80, s14;
	(pc) =	sbr.rel @p0 .LBB2_7-.Ltmp5, $2  }
0x47: {  	_ =	sdelay $0x2  }
0x48: {  	s15 =	sadd.s32 $0x400, s15;
	s16 =	sadd.s32 s16, s12  }
.Ltmp6:
0x49: {  	(pc) =	sbr.rel .LBB2_9-.Ltmp6, $2  }
0x4a: {  	_ =	sdelay $0x2  }
0x4b: {  	[hbm:s16] =	stream.linear.scatter [tilespmem:s13], [sflag:$0x3], $0x400, $0x38;
	[tilespmem:$0x8100] =	vst v63  }
.LBB2_2:
.Ltmp7:
0x4c: {  	(pc) =	sbr.rel .LBB2_10-.Ltmp7, $4  }
0x4d: {  	_ = 	snop  }
0x4e: {  	s12 =	sshrl.u32 s11, $0x3  }
0x4f: {  	s13 =	sand.u32 $0x7, s11;
	s12 =	sadd.s32 s3, s12  }
0x50: {  	[tilespmem:s9], [sflag:$0x2] =	stream.linear.gather [hbm4b:s12+s13], $0x80, $0x38;
	[tilespmem:$0x8100] =	vst v63  }
.LBB2_11:
0x51: {  	s2 =	simm.s32 $0x3  }
0x52: {  	_ =	swait.ge [sflag:s2], $0x4000  }
0x53: {  	[sflag:s2] =	ssyncset.done $0x0  }
0x54: {  	[sflag:s2] =	ssyncadd.s32 $0xFFFFC000  }
0x55: {  	_ =	sfence.sel $0x180000  }
0x56: {  	s3 =	simm.s32 $0x2;
	[bflag:$0x0] =	sbarrier.arrive $0xFFFF  }
0x57: {  	[sflag:s3] =	ssyncpa.u1 $0x1  }
0x58: {  	s31 =	simm.s32 $0x1;
	[sflag:s2] =	ssyncpa.u1 $0x1  }
0x59: {  	[sflag:s31] =	ssyncpa.u1 $0x1  }
0x5a: {  	p0 =	sne.s32 s1, $0x0;
	_ =	strace $0x90000047  }
0x5b: {  	s0 =	sadd.s32 @!p0 $0x100000, s0;
	[bflag:$0x2] =	sbarrier.arrive $0xFFFF  }
0x5c: {  	[sflag:s0] =	ssyncadd.tile.s32 @!p0 $0x1;
	_ =	shalt  }
.Lfunc_end2:
_tile_overlayer_lowered:
.L_overlay_start_2:
0x5d: {  	(tag) =	ssettag $0x2  }
0x5e: {  	s0 =	rddreg [dreg:$0x0];
	s2 =	stileid.u32  }
0x5f: {  	s1 =	rddreg [dreg:$0x1];
	p0 =	sne.s32 s2, $0x0  }
0x60: {  	s3 =	rddreg [dreg:$0x2];
	[bflag:$0x3] =	sbarrier.arrive $0xFFFF;
	s2 =	simm.s32 @!p0 $0x1C01  }
0x61: {  	[timem:s3], [sflag:s2] =	dma.local @!p0 [hbm:s0], s1  }
0x62: {  	s0 =	simm.s32 @!p0 $0x1  }
0x63: {  	_ =	swait.ge @!p0 [sflag:s0], s1  }
0x64: {  	s1 =	ssub.s32 @!p0 $0x0, s1;
	[sflag:s0] =	ssyncset.done @!p0 $0x0  }
0x65: {  	[sflag:s0] =	ssyncadd.s32 @!p0 s1  }
0x66: {  	[bflag:$0x3] =	sbarrier.arrive $0xFFFF  }
0x67: {  	_ =	shalt  }

</sc_bundles>
